<compile_context>
chip_gen: v7x
topology: tpu7x:2x2x1
jax: 0.10.2.dev20260603
libtpu: 0.0.44.dev20260713+nightly
codegen_flags: <defaults>
</compile_context>

<pallas_src>
import functools

import jax
import jax.numpy as jnp
from jax import lax
from jax.experimental import pallas as pl
from jax.experimental.pallas import tpu as pltpu
from jax.experimental.pallas import tpu_sc as plsc

_TOTAL = 32768
_D = 128
_NB = 16
_LAM = 1e-05
_NCORE = 1
_NSUB = 16
_CHUNK = _TOTAL * 4 // _NSUB


def _hist_body(ids_hbm, out_hbm, buf, cnt, sem):
    c = lax.axis_index("c")
    s = lax.axis_index("s")
    wid = s * _NCORE + c
    cp = pltpu.make_async_copy(ids_hbm.at[pl.ds(wid * _CHUNK, _CHUNK)], buf, sem)
    cp.start()

    zv = jnp.zeros((16,), jnp.int32)
    for k in range(_NB):
        cnt[pl.ds(k * 16, 16)] = zv
    cp.wait()

    lo = buf[pl.ds(0, 16)][0]
    hi = buf[pl.ds(_CHUNK - 16, 16)][12]

    def per_bin(b, carry):
        def body(k, acc):
            for j in range(4):
                v = buf[pl.ds(k * 64 + j * 16, 16)]
                acc = acc + jnp.where(v == b, jnp.int32(1), jnp.int32(0))
            return acc

        acc = lax.fori_loop(0, _CHUNK // 64, body, jnp.zeros((16,), jnp.int32))
        cnt[pl.ds(b * 16, 16)] = acc
        return carry

    lax.fori_loop(lo, hi + 1, per_bin, 0)
    pltpu.sync_copy(cnt, out_hbm.at[wid])


@functools.cache
def _hist():
    return pl.kernel(
        _hist_body,
        mesh=plsc.VectorSubcoreMesh(core_axis_name="c", subcore_axis_name="s", num_cores=1),
        out_type=jax.ShapeDtypeStruct((_NSUB, _NB * 16), jnp.int32),
        scratch_types=[
            pltpu.VMEM((_CHUNK,), jnp.int32),
            pltpu.VMEM((_NB * 16,), jnp.int32),
            pltpu.SemaphoreType.DMA,
        ],
    )


def _dense_body(f_ref, part_ref, o_ref, *, tile):
    f = f_ref[...]
    p = part_ref[...].astype(jnp.float32)
    lanemask = lax.broadcasted_iota(jnp.int32, (1, 16), 1) % 4 == 0
    prows = jnp.sum(jnp.where(lanemask, p, 0.0), axis=1, keepdims=True)
    rid = lax.broadcasted_iota(jnp.int32, (_NSUB * _NB, 1), 0) % _NB
    sel = rid == lax.broadcasted_iota(jnp.int32, (1, _NB), 1)
    counts = jnp.sum(jnp.where(sel, prows, 0.0), axis=0, keepdims=True)

    inc = counts
    for sh in (1, 2, 4, 8):
        inc = inc + jnp.concatenate(
            [jnp.zeros((1, sh), jnp.float32), inc[:, : _NB - sh]], axis=1
        )
    starts = inc - counts

    row0 = pl.program_id(0) * tile
    gid = (row0 + lax.broadcasted_iota(jnp.int32, (tile, 1), 0)).astype(
        jnp.float32
    )
    inb = ((gid >= starts) & (gid < inc)).astype(jnp.float32)
    dn = (((1,), (0,)), ((), ()))
    n = lax.dot_general(
        inb * counts, jnp.ones((_NB, _D), jnp.float32), dn,
        preferred_element_type=jnp.float32,
    )

    ones_bb = jnp.ones((_D, _D), jnp.float32)
    mean = lax.dot_general(f, ones_bb, dn, preferred_element_type=jnp.float32) * (
        1.0 / _D
    )
    d = f - mean
    sq = d * d
    rs = lax.dot_general(sq, ones_bb, dn, preferred_element_type=jnp.float32)
    nm1 = n - 1.0
    r2 = (0.125 * nm1) / (rs + _LAM * nm1)
    t = sq * r2 + 0.25
    o_ref[...] = f * (1.5 + 0.5 * jnp.tanh(t))


def kernel(features, indices):
    ids_flat = indices.reshape(-1)
    partials = _hist()(ids_flat).reshape(_NSUB * _NB, 16)
    tile = 4096
    out = pl.pallas_call(
        functools.partial(_dense_body, tile=tile),
        grid=(_TOTAL // tile,),
        in_specs=[
            pl.BlockSpec((tile, _D), lambda i: (i, 0)),
            pl.BlockSpec((_NSUB * _NB, 16), lambda i: (0, 0)),
        ],
        out_specs=pl.BlockSpec((tile, _D), lambda i: (i, 0)),
        out_shape=jax.ShapeDtypeStruct((_TOTAL, _D), jnp.float32),
    )(features, partials)
    return out

# --- scband reference (transcript-rebuilt; emitter-appended) ---
"""Pipeline reference for scband-point-attentation-75033078661462 (READ-ONLY COPY).

The authoritative reference and input builder live on the scoring server;
editing this copy changes nothing except your own understanding.
"""

import jax, jax.numpy as jnp
import numpy as np

TOTAL_TOK = 32768
D = 128
NUM_BATCHES = 16
LAMDA = 1e-05


def setup_inputs(seed: int = 0) -> dict:
    key = jax.random.key(seed)
    k1, k2, k3 = jax.random.split(key, 3)
    features = jax.random.normal(k1, (TOTAL_TOK, D), dtype=jnp.float32)
    # spconv-style indices: column 0 is the batch index (sorted, as produced by
    # voxelization), remaining 3 columns are spatial coordinates.
    batch_col = jnp.sort(jax.random.randint(k2, (TOTAL_TOK,), 0, NUM_BATCHES, dtype=jnp.int32))
    spatial = jax.random.randint(k3, (TOTAL_TOK, 3), 0, 1024, dtype=jnp.int32)
    indices = jnp.concatenate([batch_col[:, None], spatial], axis=1)
    return {"features": features, "indices": indices}


def reference(features, indices):
    # Faithful translation of Point_Attentation.point_attentation, vectorized
    # over the ragged per-batch split. The torch code splits features by batch
    # index; the only place the segment matters is n (#points in the segment),
    # used as the (n-1) Bessel denominator for the per-row channel variance.
    batch_index = indices[:, 0]
    ones = jnp.ones((features.shape[0],), dtype=jnp.float32)
    counts = jax.ops.segment_sum(ones, batch_index, num_segments=NUM_BATCHES)
    n = counts[batch_index][:, None]  # per-row segment size
    mean = jnp.mean(features, axis=-1, keepdims=True)
    sq = jnp.power(features - mean, 2)
    var = jnp.sum(sq, axis=-1, keepdims=True) / (n - 1.0)
    e_t = sq / (4.0 * (var + LAMDA)) + 0.5
    out = features + jax.nn.sigmoid(e_t) * features
    return out

if __name__ == "__main__":
    import jax
    _d = setup_inputs()
    print(jax.jit(kernel)(*tuple(_d.values())))

</pallas_src>

<mosaic_0001>
#map = affine_map<(d0, d1) -> (0)>
#map1 = affine_map<(d0, d1) -> (0, 0)>
module attributes {stable_mosaic.version = 14 : i64} {
  func.func @_hist_body(%arg0: i32, %arg1: i32, %arg2: memref<131072xi32, #tpu.memory_space<hbm>>, %arg3: memref<16x256xi32, #tpu.memory_space<hbm>>, %arg4: memref<8192xi32, #tpu.memory_space<vmem>>, %arg5: memref<256xi32, #tpu.memory_space<vmem>>, %arg6: memref<!tpu.dma_semaphore, #tpu.memory_space<semaphore_mem>>) attributes {dimension_semantics = [#tpu.dimension_semantics<core_parallel>, #tpu.dimension_semantics<subcore_parallel>], iteration_bounds = array<i64: 1, 16>, scalar_prefetch = 0 : i64, scratch_operands = 3 : i64, tpu.core_type = #tpu.core_type<sc_vector_subcore>, window_params = [{transform_indices = #map}, {transform_indices = #map1}]} {
    %mul3A = arith.constant 1 : i32
    %mul3A_0 = arith.muli %arg1, %mul3A : i32
    %add3A = arith.addi %mul3A_0, %arg0 : i32
    %mul3A_1 = arith.constant 8192 : i32
    %mul3A_2 = arith.muli %add3A, %mul3A_1 : i32
    %dma_start3A = tpu.memref_slice %arg2[%mul3A_2] : memref<131072xi32, #tpu.memory_space<hbm>> -> memref<8192xi32, #tpu.memory_space<hbm>>
    %dma_start3A_3 = tpu.memref_slice %arg2[%mul3A_2] : memref<131072xi32, #tpu.memory_space<hbm>> -> memref<8192xi32, #tpu.memory_space<hbm>>
    tpu.enqueue_dma source(%dma_start3A_3 : memref<8192xi32, #tpu.memory_space<hbm>>) target(%arg4 : memref<8192xi32, #tpu.memory_space<vmem>>) target_semaphore(%arg6 : memref<!tpu.dma_semaphore, #tpu.memory_space<semaphore_mem>>)
    %broadcast_in_dim3A = arith.constant 0 : i32
    %broadcast_in_dim3A_4 = vector.broadcast %broadcast_in_dim3A : i32 to vector<16xi32>
    %swap3A = arith.constant 0 : index
    %swap3A_5 = tpu.vector_load %arg5[%swap3A] {strides = array<i32>} : memref<256xi32, #tpu.memory_space<vmem>>, vector<16xi32>,
    %swap3A_6 = vector.shape_cast %swap3A_5 : vector<16xi32> to vector<16xi32>
    %swap3A_7 = vector.shape_cast %broadcast_in_dim3A_4 : vector<16xi32> to vector<16xi32>
    tpu.vector_store %arg5[%swap3A], %swap3A_7 {strides = array<i32>} : memref<256xi32, #tpu.memory_space<vmem>>, vector<16xi32>,
    %swap3A_8 = arith.constant 16 : index
    %swap3A_9 = tpu.vector_load %arg5[%swap3A_8] {strides = array<i32>} : memref<256xi32, #tpu.memory_space<vmem>>, vector<16xi32>,
    %swap3A_10 = vector.shape_cast %swap3A_9 : vector<16xi32> to vector<16xi32>
    %swap3A_11 = vector.shape_cast %broadcast_in_dim3A_4 : vector<16xi32> to vector<16xi32>
    tpu.vector_store %arg5[%swap3A_8], %swap3A_11 {strides = array<i32>} : memref<256xi32, #tpu.memory_space<vmem>>, vector<16xi32>,
    %swap3A_12 = arith.constant 32 : index
    %swap3A_13 = tpu.vector_load %arg5[%swap3A_12] {strides = array<i32>} : memref<256xi32, #tpu.memory_space<vmem>>, vector<16xi32>,
    %swap3A_14 = vector.shape_cast %swap3A_13 : vector<16xi32> to vector<16xi32>
    %swap3A_15 = vector.shape_cast %broadcast_in_dim3A_4 : vector<16xi32> to vector<16xi32>
    tpu.vector_store %arg5[%swap3A_12], %swap3A_15 {strides = array<i32>} : memref<256xi32, #tpu.memory_space<vmem>>, vector<16xi32>,
    %swap3A_16 = arith.constant 48 : index
    %swap3A_17 = tpu.vector_load %arg5[%swap3A_16] {strides = array<i32>} : memref<256xi32, #tpu.memory_space<vmem>>, vector<16xi32>,
    %swap3A_18 = vector.shape_cast %swap3A_17 : vector<16xi32> to vector<16xi32>
    %swap3A_19 = vector.shape_cast %broadcast_in_dim3A_4 : vector<16xi32> to vector<16xi32>
    tpu.vector_store %arg5[%swap3A_16], %swap3A_19 {strides = array<i32>} : memref<256xi32, #tpu.memory_space<vmem>>, vector<16xi32>,
    %swap3A_20 = arith.constant 64 : index
    %swap3A_21 = tpu.vector_load %arg5[%swap3A_20] {strides = array<i32>} : memref<256xi32, #tpu.memory_space<vmem>>, vector<16xi32>,
    %swap3A_22 = vector.shape_cast %swap3A_21 : vector<16xi32> to vector<16xi32>
    %swap3A_23 = vector.shape_cast %broadcast_in_dim3A_4 : vector<16xi32> to vector<16xi32>
    tpu.vector_store %arg5[%swap3A_20], %swap3A_23 {strides = array<i32>} : memref<256xi32, #tpu.memory_space<vmem>>, vector<16xi32>,
    %swap3A_24 = arith.constant 80 : index
    %swap3A_25 = tpu.vector_load %arg5[%swap3A_24] {strides = array<i32>} : memref<256xi32, #tpu.memory_space<vmem>>, vector<16xi32>,
    %swap3A_26 = vector.shape_cast %swap3A_25 : vector<16xi32> to vector<16xi32>
    %swap3A_27 = vector.shape_cast %broadcast_in_dim3A_4 : vector<16xi32> to vector<16xi32>
    tpu.vector_store %arg5[%swap3A_24], %swap3A_27 {strides = array<i32>} : memref<256xi32, #tpu.memory_space<vmem>>, vector<16xi32>,
    %swap3A_28 = arith.constant 96 : index
    %swap3A_29 = tpu.vector_load %arg5[%swap3A_28] {strides = array<i32>} : memref<256xi32, #tpu.memory_space<vmem>>, vector<16xi32>,
    %swap3A_30 = vector.shape_cast %swap3A_29 : vector<16xi32> to vector<16xi32>
    %swap3A_31 = vector.shape_cast %broadcast_in_dim3A_4 : vector<16xi32> to vector<16xi32>
    tpu.vector_store %arg5[%swap3A_28], %swap3A_31 {strides = array<i32>} : memref<256xi32, #tpu.memory_space<vmem>>, vector<16xi32>,
    %swap3A_32 = arith.constant 112 : index
    %swap3A_33 = tpu.vector_load %arg5[%swap3A_32] {strides = array<i32>} : memref<256xi32, #tpu.memory_space<vmem>>, vector<16xi32>,
    %swap3A_34 = vector.shape_cast %swap3A_33 : vector<16xi32> to vector<16xi32>
    %swap3A_35 = vector.shape_cast %broadcast_in_dim3A_4 : vector<16xi32> to vector<16xi32>
    tpu.vector_store %arg5[%swap3A_32], %swap3A_35 {strides = array<i32>} : memref<256xi32, #tpu.memory_space<vmem>>, vector<16xi32>,
    %swap3A_36 = arith.constant 128 : index
    %swap3A_37 = tpu.vector_load %arg5[%swap3A_36] {strides = array<i32>} : memref<256xi32, #tpu.memory_space<vmem>>, vector<16xi32>,
    %swap3A_38 = vector.shape_cast %swap3A_37 : vector<16xi32> to vector<16xi32>
    %swap3A_39 = vector.shape_cast %broadcast_in_dim3A_4 : vector<16xi32> to vector<16xi32>
    tpu.vector_store %arg5[%swap3A_36], %swap3A_39 {strides = array<i32>} : memref<256xi32, #tpu.memory_space<vmem>>, vector<16xi32>,
    %swap3A_40 = arith.constant 144 : index
    %swap3A_41 = tpu.vector_load %arg5[%swap3A_40] {strides = array<i32>} : memref<256xi32, #tpu.memory_space<vmem>>, vector<16xi32>,
    %swap3A_42 = vector.shape_cast %swap3A_41 : vector<16xi32> to vector<16xi32>
    %swap3A_43 = vector.shape_cast %broadcast_in_dim3A_4 : vector<16xi32> to vector<16xi32>
    tpu.vector_store %arg5[%swap3A_40], %swap3A_43 {strides = array<i32>} : memref<256xi32, #tpu.memory_space<vmem>>, vector<16xi32>,
    %swap3A_44 = arith.constant 160 : index
    %swap3A_45 = tpu.vector_load %arg5[%swap3A_44] {strides = array<i32>} : memref<256xi32, #tpu.memory_space<vmem>>, vector<16xi32>,
    %swap3A_46 = vector.shape_cast %swap3A_45 : vector<16xi32> to vector<16xi32>
    %swap3A_47 = vector.shape_cast %broadcast_in_dim3A_4 : vector<16xi32> to vector<16xi32>
    tpu.vector_store %arg5[%swap3A_44], %swap3A_47 {strides = array<i32>} : memref<256xi32, #tpu.memory_space<vmem>>, vector<16xi32>,
    %swap3A_48 = arith.constant 176 : index
    %swap3A_49 = tpu.vector_load %arg5[%swap3A_48] {strides = array<i32>} : memref<256xi32, #tpu.memory_space<vmem>>, vector<16xi32>,
    %swap3A_50 = vector.shape_cast %swap3A_49 : vector<16xi32> to vector<16xi32>
    %swap3A_51 = vector.shape_cast %broadcast_in_dim3A_4 : vector<16xi32> to vector<16xi32>
    tpu.vector_store %arg5[%swap3A_48], %swap3A_51 {strides = array<i32>} : memref<256xi32, #tpu.memory_space<vmem>>, vector<16xi32>,
    %swap3A_52 = arith.constant 192 : index
    %swap3A_53 = tpu.vector_load %arg5[%swap3A_52] {strides = array<i32>} : memref<256xi32, #tpu.memory_space<vmem>>, vector<16xi32>,
    %swap3A_54 = vector.shape_cast %swap3A_53 : vector<16xi32> to vector<16xi32>
    %swap3A_55 = vector.shape_cast %broadcast_in_dim3A_4 : vector<16xi32> to vector<16xi32>
    tpu.vector_store %arg5[%swap3A_52], %swap3A_55 {strides = array<i32>} : memref<256xi32, #tpu.memory_space<vmem>>, vector<16xi32>,
    %swap3A_56 = arith.constant 208 : index
    %swap3A_57 = tpu.vector_load %arg5[%swap3A_56] {strides = array<i32>} : memref<256xi32, #tpu.memory_space<vmem>>, vector<16xi32>,
    %swap3A_58 = vector.shape_cast %swap3A_57 : vector<16xi32> to vector<16xi32>
    %swap3A_59 = vector.shape_cast %broadcast_in_dim3A_4 : vector<16xi32> to vector<16xi32>
    tpu.vector_store %arg5[%swap3A_56], %swap3A_59 {strides = array<i32>} : memref<256xi32, #tpu.memory_space<vmem>>, vector<16xi32>,
    %swap3A_60 = arith.constant 224 : index
    %swap3A_61 = tpu.vector_load %arg5[%swap3A_60] {strides = array<i32>} : memref<256xi32, #tpu.memory_space<vmem>>, vector<16xi32>,
    %swap3A_62 = vector.shape_cast %swap3A_61 : vector<16xi32> to vector<16xi32>
    %swap3A_63 = vector.shape_cast %broadcast_in_dim3A_4 : vector<16xi32> to vector<16xi32>
    tpu.vector_store %arg5[%swap3A_60], %swap3A_63 {strides = array<i32>} : memref<256xi32, #tpu.memory_space<vmem>>, vector<16xi32>,
    %swap3A_64 = arith.constant 240 : index
    %swap3A_65 = tpu.vector_load %arg5[%swap3A_64] {strides = array<i32>} : memref<256xi32, #tpu.memory_space<vmem>>, vector<16xi32>,
    %swap3A_66 = vector.shape_cast %swap3A_65 : vector<16xi32> to vector<16xi32>
    %swap3A_67 = vector.shape_cast %broadcast_in_dim3A_4 : vector<16xi32> to vector<16xi32>
    tpu.vector_store %arg5[%swap3A_64], %swap3A_67 {strides = array<i32>} : memref<256xi32, #tpu.memory_space<vmem>>, vector<16xi32>,
    %dma_wait3A = tpu.memref_slice %arg2[%mul3A_2] : memref<131072xi32, #tpu.memory_space<hbm>> -> memref<8192xi32, #tpu.memory_space<hbm>>
    %dma_wait3A_68 = tpu.memref_slice %arg2[%mul3A_2] : memref<131072xi32, #tpu.memory_space<hbm>> -> memref<8192xi32, #tpu.memory_space<hbm>>
    tpu.wait_dma2 semaphore(%arg6 : memref<!tpu.dma_semaphore, #tpu.memory_space<semaphore_mem>>) src(%dma_wait3A_68 : memref<8192xi32, #tpu.memory_space<hbm>>) dst(%arg4 : memref<8192xi32, #tpu.memory_space<vmem>>)
    %get3A = arith.constant 0 : index
    %get3A_69 = tpu.vector_load %arg4[%get3A] {strides = array<i32>} : memref<8192xi32, #tpu.memory_space<vmem>>, vector<16xi32>,
    %get3A_70 = vector.shape_cast %get3A_69 : vector<16xi32> to vector<16xi32>
    %slice3A = vector.extract_strided_slice %get3A_70 {offsets = [0], sizes = [1], strides = [1]} : vector<16xi32> to vector<1xi32>
    %squeeze3A = vector.extract %slice3A[0] : i32 from vector<1xi32>
    %get3A_71 = arith.constant 8176 : index
    %get3A_72 = tpu.vector_load %arg4[%get3A_71] {strides = array<i32>} : memref<8192xi32, #tpu.memory_space<vmem>>, vector<16xi32>,
    %get3A_73 = vector.shape_cast %get3A_72 : vector<16xi32> to vector<16xi32>
    %slice3A_74 = vector.extract_strided_slice %get3A_73 {offsets = [12], sizes = [1], strides = [1]} : vector<16xi32> to vector<1xi32>
    %squeeze3A_75 = vector.extract %slice3A_74[0] : i32 from vector<1xi32>
    %add3A_76 = arith.constant 1 : i32
    %add3A_77 = arith.addi %squeeze3A_75, %add3A_76 : i32
    %while3A = arith.constant 0 : i32
    %while3A_78 = arith.subi %add3A_77, %squeeze3A : i32
    %while3A_79 = arith.addi %squeeze3A, %while3A_78 : i32
    %while3A_80 = arith.constant 1 : i32
    %while3A_81 = arith.divsi %while3A_78, %while3A_80 : i32
    %while3A_82 = arith.muli %while3A_81, %while3A_80 : i32
    %while3A_83 = arith.addi %squeeze3A, %while3A_82 : i32
    %while3A_84 = arith.constant 1 : i32
    scf.for %while3A_86 = %squeeze3A to %while3A_83 step %while3A_84  : i32 {
      %broadcast_in_dim3A_87 = arith.constant 0 : i32
      %broadcast_in_dim3A_88 = vector.broadcast %broadcast_in_dim3A_87 : i32 to vector<16xi32>
      %scan3A = arith.constant 0 : i32
      %scan3A_89 = arith.constant 128 : i32
      %scan3A_90 = arith.addi %scan3A, %scan3A_89 : i32
      %scan3A_91 = arith.constant 1 : i32
      %scan3A_92 = scf.for %scan3A_100 = %scan3A to %scan3A_90 step %scan3A_91 iter_args(%scan3A_101 = %broadcast_in_dim3A_88) -> (vector<16xi32>)  : i32 {
        %mul3A_102 = arith.constant 64 : i32
        %mul3A_103 = arith.muli %scan3A_100, %mul3A_102 : i32
        %add3A_104 = arith.constant 0 : i32
        %add3A_105 = arith.addi %mul3A_103, %add3A_104 : i32
        %get3A_106 = arith.index_cast %add3A_105 : i32 to index
        %get3A_107 = tpu.vector_load %arg4[%get3A_106] {strides = array<i32>} : memref<8192xi32, #tpu.memory_space<vmem>>, vector<16xi32>,
        %get3A_108 = vector.shape_cast %get3A_107 : vector<16xi32> to vector<16xi32>
        %eq3A = vector.broadcast %while3A_86 : i32 to vector<16xi32>
        %eq3A_109 = arith.cmpi eq, %get3A_108, %eq3A : vector<16xi32>
        %jit3A = arith.constant 1 : i32
        %jit3A_110 = arith.constant 0 : i32
        %broadcast_in_dim3A_111 = vector.broadcast %jit3A : i32 to vector<16xi32>
        %broadcast_in_dim3A_112 = vector.broadcast %jit3A_110 : i32 to vector<16xi32>
        %select_n3A = arith.select %eq3A_109, %broadcast_in_dim3A_111, %broadcast_in_dim3A_112 : vector<16xi1>, vector<16xi32>
        %add3A_113 = arith.addi %scan3A_101, %select_n3A : vector<16xi32>
        %mul3A_114 = arith.constant 64 : i32
        %mul3A_115 = arith.muli %scan3A_100, %mul3A_114 : i32
        %add3A_116 = arith.constant 16 : i32
        %add3A_117 = arith.addi %mul3A_115, %add3A_116 : i32
        %get3A_118 = arith.index_cast %add3A_117 : i32 to index
        %get3A_119 = tpu.vector_load %arg4[%get3A_118] {strides = array<i32>} : memref<8192xi32, #tpu.memory_space<vmem>>, vector<16xi32>,
        %get3A_120 = vector.shape_cast %get3A_119 : vector<16xi32> to vector<16xi32>
        %eq3A_121 = vector.broadcast %while3A_86 : i32 to vector<16xi32>
        %eq3A_122 = arith.cmpi eq, %get3A_120, %eq3A_121 : vector<16xi32>
        %jit3A_123 = arith.constant 1 : i32
        %jit3A_124 = arith.constant 0 : i32
        %broadcast_in_dim3A_125 = vector.broadcast %jit3A_123 : i32 to vector<16xi32>
        %broadcast_in_dim3A_126 = vector.broadcast %jit3A_124 : i32 to vector<16xi32>
        %select_n3A_127 = arith.select %eq3A_122, %broadcast_in_dim3A_125, %broadcast_in_dim3A_126 : vector<16xi1>, vector<16xi32>
        %add3A_128 = arith.addi %add3A_113, %select_n3A_127 : vector<16xi32>
        %mul3A_129 = arith.constant 64 : i32
        %mul3A_130 = arith.muli %scan3A_100, %mul3A_129 : i32
        %add3A_131 = arith.constant 32 : i32
        %add3A_132 = arith.addi %mul3A_130, %add3A_131 : i32
        %get3A_133 = arith.index_cast %add3A_132 : i32 to index
        %get3A_134 = tpu.vector_load %arg4[%get3A_133] {strides = array<i32>} : memref<8192xi32, #tpu.memory_space<vmem>>, vector<16xi32>,
        %get3A_135 = vector.shape_cast %get3A_134 : vector<16xi32> to vector<16xi32>
        %eq3A_136 = vector.broadcast %while3A_86 : i32 to vector<16xi32>
        %eq3A_137 = arith.cmpi eq, %get3A_135, %eq3A_136 : vector<16xi32>
        %jit3A_138 = arith.constant 1 : i32
        %jit3A_139 = arith.constant 0 : i32
        %broadcast_in_dim3A_140 = vector.broadcast %jit3A_138 : i32 to vector<16xi32>
        %broadcast_in_dim3A_141 = vector.broadcast %jit3A_139 : i32 to vector<16xi32>
        %select_n3A_142 = arith.select %eq3A_137, %broadcast_in_dim3A_140, %broadcast_in_dim3A_141 : vector<16xi1>, vector<16xi32>
        %add3A_143 = arith.addi %add3A_128, %select_n3A_142 : vector<16xi32>
        %mul3A_144 = arith.constant 64 : i32
        %mul3A_145 = arith.muli %scan3A_100, %mul3A_144 : i32
        %add3A_146 = arith.constant 48 : i32
        %add3A_147 = arith.addi %mul3A_145, %add3A_146 : i32
        %get3A_148 = arith.index_cast %add3A_147 : i32 to index
        %get3A_149 = tpu.vector_load %arg4[%get3A_148] {strides = array<i32>} : memref<8192xi32, #tpu.memory_space<vmem>>, vector<16xi32>,
        %get3A_150 = vector.shape_cast %get3A_149 : vector<16xi32> to vector<16xi32>
        %eq3A_151 = vector.broadcast %while3A_86 : i32 to vector<16xi32>
        %eq3A_152 = arith.cmpi eq, %get3A_150, %eq3A_151 : vector<16xi32>
        %jit3A_153 = arith.constant 1 : i32
        %jit3A_154 = arith.constant 0 : i32
        %broadcast_in_dim3A_155 = vector.broadcast %jit3A_153 : i32 to vector<16xi32>
        %broadcast_in_dim3A_156 = vector.broadcast %jit3A_154 : i32 to vector<16xi32>
        %select_n3A_157 = arith.select %eq3A_152, %broadcast_in_dim3A_155, %broadcast_in_dim3A_156 : vector<16xi1>, vector<16xi32>
        %add3A_158 = arith.addi %add3A_143, %select_n3A_157 : vector<16xi32>
        scf.yield %add3A_158 : vector<16xi32>
      }
      %scan3A_93 = arith.constant 128 : i32
      %mul3A_94 = arith.constant 16 : i32
      %mul3A_95 = arith.muli %while3A_86, %mul3A_94 : i32
      %swap3A_96 = arith.index_cast %mul3A_95 : i32 to index
      %swap3A_97 = tpu.vector_load %arg5[%swap3A_96] {strides = array<i32>} : memref<256xi32, #tpu.memory_space<vmem>>, vector<16xi32>,
      %swap3A_98 = vector.shape_cast %swap3A_97 : vector<16xi32> to vector<16xi32>
      %swap3A_99 = vector.shape_cast %scan3A_92 : vector<16xi32> to vector<16xi32>
      tpu.vector_store %arg5[%swap3A_96], %swap3A_99 {strides = array<i32>} : memref<256xi32, #tpu.memory_space<vmem>>, vector<16xi32>,
    }
    %while3A_85 = arith.constant 1 : i32
    scf.for %while3A_86 = %while3A_83 to %while3A_79 step %while3A_85  : i32 {
      %broadcast_in_dim3A_87 = arith.constant 0 : i32
      %broadcast_in_dim3A_88 = vector.broadcast %broadcast_in_dim3A_87 : i32 to vector<16xi32>
      %scan3A = arith.constant 0 : i32
      %scan3A_89 = arith.constant 128 : i32
      %scan3A_90 = arith.addi %scan3A, %scan3A_89 : i32
      %scan3A_91 = arith.constant 1 : i32
      %scan3A_92 = scf.for %scan3A_100 = %scan3A to %scan3A_90 step %scan3A_91 iter_args(%scan3A_101 = %broadcast_in_dim3A_88) -> (vector<16xi32>)  : i32 {
        %mul3A_102 = arith.constant 64 : i32
        %mul3A_103 = arith.muli %scan3A_100, %mul3A_102 : i32
        %add3A_104 = arith.constant 0 : i32
        %add3A_105 = arith.addi %mul3A_103, %add3A_104 : i32
        %get3A_106 = arith.index_cast %add3A_105 : i32 to index
        %get3A_107 = tpu.vector_load %arg4[%get3A_106] {strides = array<i32>} : memref<8192xi32, #tpu.memory_space<vmem>>, vector<16xi32>,
        %get3A_108 = vector.shape_cast %get3A_107 : vector<16xi32> to vector<16xi32>
        %eq3A = vector.broadcast %while3A_86 : i32 to vector<16xi32>
        %eq3A_109 = arith.cmpi eq, %get3A_108, %eq3A : vector<16xi32>
        %jit3A = arith.constant 1 : i32
        %jit3A_110 = arith.constant 0 : i32
        %broadcast_in_dim3A_111 = vector.broadcast %jit3A : i32 to vector<16xi32>
        %broadcast_in_dim3A_112 = vector.broadcast %jit3A_110 : i32 to vector<16xi32>
        %select_n3A = arith.select %eq3A_109, %broadcast_in_dim3A_111, %broadcast_in_dim3A_112 : vector<16xi1>, vector<16xi32>
        %add3A_113 = arith.addi %scan3A_101, %select_n3A : vector<16xi32>
        %mul3A_114 = arith.constant 64 : i32
        %mul3A_115 = arith.muli %scan3A_100, %mul3A_114 : i32
        %add3A_116 = arith.constant 16 : i32
        %add3A_117 = arith.addi %mul3A_115, %add3A_116 : i32
        %get3A_118 = arith.index_cast %add3A_117 : i32 to index
        %get3A_119 = tpu.vector_load %arg4[%get3A_118] {strides = array<i32>} : memref<8192xi32, #tpu.memory_space<vmem>>, vector<16xi32>,
        %get3A_120 = vector.shape_cast %get3A_119 : vector<16xi32> to vector<16xi32>
        %eq3A_121 = vector.broadcast %while3A_86 : i32 to vector<16xi32>
        %eq3A_122 = arith.cmpi eq, %get3A_120, %eq3A_121 : vector<16xi32>
        %jit3A_123 = arith.constant 1 : i32
        %jit3A_124 = arith.constant 0 : i32
        %broadcast_in_dim3A_125 = vector.broadcast %jit3A_123 : i32 to vector<16xi32>
        %broadcast_in_dim3A_126 = vector.broadcast %jit3A_124 : i32 to vector<16xi32>
        %select_n3A_127 = arith.select %eq3A_122, %broadcast_in_dim3A_125, %broadcast_in_dim3A_126 : vector<16xi1>, vector<16xi32>
        %add3A_128 = arith.addi %add3A_113, %select_n3A_127 : vector<16xi32>
        %mul3A_129 = arith.constant 64 : i32
        %mul3A_130 = arith.muli %scan3A_100, %mul3A_129 : i32
        %add3A_131 = arith.constant 32 : i32
        %add3A_132 = arith.addi %mul3A_130, %add3A_131 : i32
        %get3A_133 = arith.index_cast %add3A_132 : i32 to index
        %get3A_134 = tpu.vector_load %arg4[%get3A_133] {strides = array<i32>} : memref<8192xi32, #tpu.memory_space<vmem>>, vector<16xi32>,
        %get3A_135 = vector.shape_cast %get3A_134 : vector<16xi32> to vector<16xi32>
        %eq3A_136 = vector.broadcast %while3A_86 : i32 to vector<16xi32>
        %eq3A_137 = arith.cmpi eq, %get3A_135, %eq3A_136 : vector<16xi32>
        %jit3A_138 = arith.constant 1 : i32
        %jit3A_139 = arith.constant 0 : i32
        %broadcast_in_dim3A_140 = vector.broadcast %jit3A_138 : i32 to vector<16xi32>
        %broadcast_in_dim3A_141 = vector.broadcast %jit3A_139 : i32 to vector<16xi32>
        %select_n3A_142 = arith.select %eq3A_137, %broadcast_in_dim3A_140, %broadcast_in_dim3A_141 : vector<16xi1>, vector<16xi32>
        %add3A_143 = arith.addi %add3A_128, %select_n3A_142 : vector<16xi32>
        %mul3A_144 = arith.constant 64 : i32
        %mul3A_145 = arith.muli %scan3A_100, %mul3A_144 : i32
        %add3A_146 = arith.constant 48 : i32
        %add3A_147 = arith.addi %mul3A_145, %add3A_146 : i32
        %get3A_148 = arith.index_cast %add3A_147 : i32 to index
        %get3A_149 = tpu.vector_load %arg4[%get3A_148] {strides = array<i32>} : memref<8192xi32, #tpu.memory_space<vmem>>, vector<16xi32>,
        %get3A_150 = vector.shape_cast %get3A_149 : vector<16xi32> to vector<16xi32>
        %eq3A_151 = vector.broadcast %while3A_86 : i32 to vector<16xi32>
        %eq3A_152 = arith.cmpi eq, %get3A_150, %eq3A_151 : vector<16xi32>
        %jit3A_153 = arith.constant 1 : i32
        %jit3A_154 = arith.constant 0 : i32
        %broadcast_in_dim3A_155 = vector.broadcast %jit3A_153 : i32 to vector<16xi32>
        %broadcast_in_dim3A_156 = vector.broadcast %jit3A_154 : i32 to vector<16xi32>
        %select_n3A_157 = arith.select %eq3A_152, %broadcast_in_dim3A_155, %broadcast_in_dim3A_156 : vector<16xi1>, vector<16xi32>
        %add3A_158 = arith.addi %add3A_143, %select_n3A_157 : vector<16xi32>
        scf.yield %add3A_158 : vector<16xi32>
      }
      %scan3A_93 = arith.constant 128 : i32
      %mul3A_94 = arith.constant 16 : i32
      %mul3A_95 = arith.muli %while3A_86, %mul3A_94 : i32
      %swap3A_96 = arith.index_cast %mul3A_95 : i32 to index
      %swap3A_97 = tpu.vector_load %arg5[%swap3A_96] {strides = array<i32>} : memref<256xi32, #tpu.memory_space<vmem>>, vector<16xi32>,
      %swap3A_98 = vector.shape_cast %swap3A_97 : vector<16xi32> to vector<16xi32>
      %swap3A_99 = vector.shape_cast %scan3A_92 : vector<16xi32> to vector<16xi32>
      tpu.vector_store %arg5[%swap3A_96], %swap3A_99 {strides = array<i32>} : memref<256xi32, #tpu.memory_space<vmem>>, vector<16xi32>,
    }
    "tpu.region"() ({
      %run_scoped3A = tpu.sem_alloc : memref<!tpu.dma_semaphore, #tpu.memory_space<semaphore_mem>>
      %dma_start3A_86 = arith.constant 0 : i32
      %dma_start3A_87 = tpu.memref_slice %arg3[%add3A, %dma_start3A_86] : memref<16x256xi32, #tpu.memory_space<hbm>> -> memref<1x256xi32, #tpu.memory_space<hbm>>
      %dma_start3A_88 = tpu.memref_squeeze %dma_start3A_87 : memref<1x256xi32, #tpu.memory_space<hbm>> -> memref<256xi32, #tpu.memory_space<hbm>>
      %dma_start3A_89 = arith.constant 0 : i32
      %dma_start3A_90 = tpu.memref_slice %arg3[%add3A, %dma_start3A_89] : memref<16x256xi32, #tpu.memory_space<hbm>> -> memref<1x256xi32, #tpu.memory_space<hbm>>
      %dma_start3A_91 = tpu.memref_squeeze %dma_start3A_90 : memref<1x256xi32, #tpu.memory_space<hbm>> -> memref<256xi32, #tpu.memory_space<hbm>>
      tpu.enqueue_dma source(%arg5 : memref<256xi32, #tpu.memory_space<vmem>>) target(%dma_start3A_91 : memref<256xi32, #tpu.memory_space<hbm>>) target_semaphore(%run_scoped3A : memref<!tpu.dma_semaphore, #tpu.memory_space<semaphore_mem>>)
      %dma_wait3A_92 = arith.constant 0 : i32
      %dma_wait3A_93 = tpu.memref_slice %arg3[%add3A, %dma_wait3A_92] : memref<16x256xi32, #tpu.memory_space<hbm>> -> memref<1x256xi32, #tpu.memory_space<hbm>>
      %dma_wait3A_94 = tpu.memref_squeeze %dma_wait3A_93 : memref<1x256xi32, #tpu.memory_space<hbm>> -> memref<256xi32, #tpu.memory_space<hbm>>
      %dma_wait3A_95 = arith.constant 0 : i32
      %dma_wait3A_96 = tpu.memref_slice %arg3[%add3A, %dma_wait3A_95] : memref<16x256xi32, #tpu.memory_space<hbm>> -> memref<1x256xi32, #tpu.memory_space<hbm>>
      %dma_wait3A_97 = tpu.memref_squeeze %dma_wait3A_96 : memref<1x256xi32, #tpu.memory_space<hbm>> -> memref<256xi32, #tpu.memory_space<hbm>>
      tpu.wait_dma2 semaphore(%run_scoped3A : memref<!tpu.dma_semaphore, #tpu.memory_space<semaphore_mem>>) src(%arg5 : memref<256xi32, #tpu.memory_space<vmem>>) dst(%dma_wait3A_97 : memref<256xi32, #tpu.memory_space<hbm>>)
      tpu.yield
    }) : () -> ()
    return
  }
}

module attributes {stable_mosaic.version = 14 : i64} {
  func.func @_dense_body(%arg0: i32, %arg1: memref<4096x128xf32, #tpu.memory_space<vmem>>, %arg2: memref<256x16xi32, #tpu.memory_space<vmem>>, %arg3: memref<4096x128xf32, #tpu.memory_space<vmem>>) attributes {dimension_semantics = [#tpu.dimension_semantics<arbitrary>], iteration_bounds = array<i64: 8>, scalar_prefetch = 0 : i64, scratch_operands = 0 : i64, tpu.core_type = #tpu.core_type<tc>, window_params = [{transform_indices = @transform_0, window_bounds = array<i64: 4096, 128>}, {pipeline_mode = #tpu.pipeline_mode<synchronous>, transform_indices = @transform_1, window_bounds = array<i64: 256, 16>}, {transform_indices = @transform_2, window_bounds = array<i64: 4096, 128>}]} {
    %get3A = arith.constant 0 : index
    %get3A_0 = arith.constant 0 : index
    %get3A_1 = vector.load %arg1[%get3A, %get3A_0] : memref<4096x128xf32, #tpu.memory_space<vmem>>, vector<4096x128xf32>
    %get3A_2 = arith.constant 0 : index
    %get3A_3 = arith.constant 0 : index
    %get3A_4 = vector.load %arg2[%get3A_2, %get3A_3] : memref<256x16xi32, #tpu.memory_space<vmem>>, vector<256x16xi32>
    %convert_element_type3A = arith.sitofp %get3A_4 : vector<256x16xi32> to vector<256x16xf32>
    %iota3A = tpu.iota {dimensions = array<i32: 1>} : vector<1x16xi32>
    %jit3A = arith.constant 4 : i32
    %eq3A = arith.constant 0 : i32
    %eq3A_5 = arith.cmpi eq, %jit3A, %eq3A : i32
    %jit3A_6 = arith.constant 1 : i32
    %select_n3A = arith.select %eq3A_5, %jit3A_6, %jit3A : i32
    %rem3A = vector.broadcast %select_n3A : i32 to vector<1x16xi32>
    %rem3A_7 = arith.remsi %iota3A, %rem3A : vector<1x16xi32>
    %ne3A = arith.constant 0 : i32
    %ne3A_8 = vector.broadcast %ne3A : i32 to vector<1x16xi32>
    %ne3A_9 = arith.cmpi ne, %rem3A_7, %ne3A_8 : vector<1x16xi32>
    %lt3A = arith.constant 0 : i32
    %lt3A_10 = vector.broadcast %lt3A : i32 to vector<1x16xi32>
    %lt3A_11 = arith.cmpi slt, %rem3A_7, %lt3A_10 : vector<1x16xi32>
    %lt3A_12 = arith.constant 0 : i32
    %lt3A_13 = arith.cmpi slt, %select_n3A, %lt3A_12 : i32
    %ne3A_14 = vector.broadcast %lt3A_13 : i1 to vector<1x16xi1>
    %ne3A_15 = vector.broadcast %ne3A_14 : vector<1x16xi1> to vector<1x16xi1>
    %ne3A_16 = arith.xori %lt3A_11, %ne3A_15 : vector<1x16xi1>
    %and3A = arith.andi %ne3A_16, %ne3A_9 : vector<1x16xi1>
    %add3A = vector.broadcast %select_n3A : i32 to vector<1x16xi32>
    %add3A_17 = arith.addi %rem3A_7, %add3A : vector<1x16xi32>
    %select_n3A_18 = arith.select %and3A, %add3A_17, %rem3A_7 : vector<1x16xi1>, vector<1x16xi32>
    %eq3A_19 = arith.constant 0 : i32
    %eq3A_20 = vector.broadcast %eq3A_19 : i32 to vector<1x16xi32>
    %eq3A_21 = arith.cmpi eq, %select_n3A_18, %eq3A_20 : vector<1x16xi32>
    %jit3A_22 = arith.constant 0.000000e+00 : f32
    %broadcast_in_dim3A = vector.shape_cast %eq3A_21 : vector<1x16xi1> to vector<1x16xi1>
    %broadcast_in_dim3A_23 = vector.broadcast %broadcast_in_dim3A : vector<1x16xi1> to vector<256x16xi1>
    %broadcast_in_dim3A_24 = vector.broadcast %jit3A_22 : f32 to vector<256x16xf32>
    %select_n3A_25 = arith.select %broadcast_in_dim3A_23, %convert_element_type3A, %broadcast_in_dim3A_24 : vector<256x16xi1>, vector<256x16xf32>
    %reduce_sum3A = arith.constant dense<0.000000e+00> : vector<256xf32>
    %reduce_sum3A_26 = vector.multi_reduction <add>, %select_n3A_25, %reduce_sum3A [1] : vector<256x16xf32> to vector<256xf32>
    %broadcast_in_dim3A_27 = vector.shape_cast %reduce_sum3A_26 : vector<256xf32> to vector<256x1xf32>
    %iota3A_28 = tpu.iota {dimensions = array<i32: 0>} : vector<256x1xi32>
    %jit3A_29 = arith.constant 16 : i32
    %eq3A_30 = arith.constant 0 : i32
    %eq3A_31 = arith.cmpi eq, %jit3A_29, %eq3A_30 : i32
    %jit3A_32 = arith.constant 1 : i32
    %select_n3A_33 = arith.select %eq3A_31, %jit3A_32, %jit3A_29 : i32
    %rem3A_34 = vector.broadcast %select_n3A_33 : i32 to vector<256x1xi32>
    %rem3A_35 = arith.remsi %iota3A_28, %rem3A_34 : vector<256x1xi32>
    %ne3A_36 = arith.constant 0 : i32
    %ne3A_37 = vector.broadcast %ne3A_36 : i32 to vector<256x1xi32>
    %ne3A_38 = arith.cmpi ne, %rem3A_35, %ne3A_37 : vector<256x1xi32>
    %lt3A_39 = arith.constant 0 : i32
    %lt3A_40 = vector.broadcast %lt3A_39 : i32 to vector<256x1xi32>
    %lt3A_41 = arith.cmpi slt, %rem3A_35, %lt3A_40 : vector<256x1xi32>
    %lt3A_42 = arith.constant 0 : i32
    %lt3A_43 = arith.cmpi slt, %select_n3A_33, %lt3A_42 : i32
    %ne3A_44 = vector.broadcast %lt3A_43 : i1 to vector<256x1xi1>
    %ne3A_45 = vector.broadcast %ne3A_44 : vector<256x1xi1> to vector<256x1xi1>
    %ne3A_46 = arith.xori %lt3A_41, %ne3A_45 : vector<256x1xi1>
    %and3A_47 = arith.andi %ne3A_46, %ne3A_38 : vector<256x1xi1>
    %add3A_48 = vector.broadcast %select_n3A_33 : i32 to vector<256x1xi32>
    %add3A_49 = arith.addi %rem3A_35, %add3A_48 : vector<256x1xi32>
    %select_n3A_50 = arith.select %and3A_47, %add3A_49, %rem3A_35 : vector<256x1xi1>, vector<256x1xi32>
    %iota3A_51 = tpu.iota {dimensions = array<i32: 1>} : vector<1x16xi32>
    %eq3A_52 = vector.broadcast %select_n3A_50 : vector<256x1xi32> to vector<256x16xi32>
    %eq3A_53 = vector.broadcast %iota3A_51 : vector<1x16xi32> to vector<256x16xi32>
    %eq3A_54 = arith.cmpi eq, %eq3A_52, %eq3A_53 : vector<256x16xi32>
    %jit3A_55 = arith.constant 0.000000e+00 : f32
    %broadcast_in_dim3A_56 = vector.shape_cast %broadcast_in_dim3A_27 : vector<256x1xf32> to vector<256x1xf32>
    %broadcast_in_dim3A_57 = vector.broadcast %broadcast_in_dim3A_56 : vector<256x1xf32> to vector<256x16xf32>
    %broadcast_in_dim3A_58 = vector.broadcast %jit3A_55 : f32 to vector<256x16xf32>
    %select_n3A_59 = arith.select %eq3A_54, %broadcast_in_dim3A_57, %broadcast_in_dim3A_58 : vector<256x16xi1>, vector<256x16xf32>
    %reduce_sum3A_60 = arith.constant dense<0.000000e+00> : vector<16xf32>
    %reduce_sum3A_61 = vector.multi_reduction <add>, %select_n3A_59, %reduce_sum3A_60 [0] : vector<256x16xf32> to vector<16xf32>
    %broadcast_in_dim3A_62 = vector.shape_cast %reduce_sum3A_61 : vector<16xf32> to vector<1x16xf32>
    %broadcast_in_dim3A_63 = arith.constant 0.000000e+00 : f32
    %broadcast_in_dim3A_64 = vector.broadcast %broadcast_in_dim3A_63 : f32 to vector<1x1xf32>
    %slice3A = vector.extract_strided_slice %broadcast_in_dim3A_62 {offsets = [0, 0], sizes = [1, 15], strides = [1, 1]} : vector<1x16xf32> to vector<1x15xf32>
    %concatenate3A = tpu.concatenate %broadcast_in_dim3A_64, %slice3A in 1 : vector<1x1xf32>, vector<1x15xf32> -> vector<1x16xf32>
    %add3A_65 = arith.addf %broadcast_in_dim3A_62, %concatenate3A : vector<1x16xf32>
    %broadcast_in_dim3A_66 = arith.constant 0.000000e+00 : f32
    %broadcast_in_dim3A_67 = vector.broadcast %broadcast_in_dim3A_66 : f32 to vector<1x2xf32>
    %slice3A_68 = vector.extract_strided_slice %add3A_65 {offsets = [0, 0], sizes = [1, 14], strides = [1, 1]} : vector<1x16xf32> to vector<1x14xf32>
    %concatenate3A_69 = tpu.concatenate %broadcast_in_dim3A_67, %slice3A_68 in 1 : vector<1x2xf32>, vector<1x14xf32> -> vector<1x16xf32>
    %add3A_70 = arith.addf %add3A_65, %concatenate3A_69 : vector<1x16xf32>
    %broadcast_in_dim3A_71 = arith.constant 0.000000e+00 : f32
    %broadcast_in_dim3A_72 = vector.broadcast %broadcast_in_dim3A_71 : f32 to vector<1x4xf32>
    %slice3A_73 = vector.extract_strided_slice %add3A_70 {offsets = [0, 0], sizes = [1, 12], strides = [1, 1]} : vector<1x16xf32> to vector<1x12xf32>
    %concatenate3A_74 = tpu.concatenate %broadcast_in_dim3A_72, %slice3A_73 in 1 : vector<1x4xf32>, vector<1x12xf32> -> vector<1x16xf32>
    %add3A_75 = arith.addf %add3A_70, %concatenate3A_74 : vector<1x16xf32>
    %broadcast_in_dim3A_76 = arith.constant 0.000000e+00 : f32
    %broadcast_in_dim3A_77 = vector.broadcast %broadcast_in_dim3A_76 : f32 to vector<1x8xf32>
    %slice3A_78 = vector.extract_strided_slice %add3A_75 {offsets = [0, 0], sizes = [1, 8], strides = [1, 1]} : vector<1x16xf32> to vector<1x8xf32>
    %concatenate3A_79 = tpu.concatenate %broadcast_in_dim3A_77, %slice3A_78 in 1 : vector<1x8xf32>, vector<1x8xf32> -> vector<1x16xf32>
    %add3A_80 = arith.addf %add3A_75, %concatenate3A_79 : vector<1x16xf32>
    %sub3A = arith.subf %add3A_80, %broadcast_in_dim3A_62 : vector<1x16xf32>
    %mul3A = arith.constant 4096 : i32
    %mul3A_81 = arith.muli %arg0, %mul3A : i32
    %iota3A_82 = tpu.iota {dimensions = array<i32: 0>} : vector<4096x1xi32>
    %add3A_83 = vector.broadcast %mul3A_81 : i32 to vector<4096x1xi32>
    %add3A_84 = arith.addi %add3A_83, %iota3A_82 : vector<4096x1xi32>
    %convert_element_type3A_85 = arith.sitofp %add3A_84 : vector<4096x1xi32> to vector<4096x1xf32>
    %ge3A = vector.broadcast %convert_element_type3A_85 : vector<4096x1xf32> to vector<4096x16xf32>
    %ge3A_86 = vector.broadcast %sub3A : vector<1x16xf32> to vector<4096x16xf32>
    %ge3A_87 = arith.cmpf oge, %ge3A, %ge3A_86 : vector<4096x16xf32>
    %lt3A_88 = vector.broadcast %convert_element_type3A_85 : vector<4096x1xf32> to vector<4096x16xf32>
    %lt3A_89 = vector.broadcast %add3A_80 : vector<1x16xf32> to vector<4096x16xf32>
    %lt3A_90 = arith.cmpf olt, %lt3A_88, %lt3A_89 : vector<4096x16xf32>
    %and3A_91 = arith.andi %ge3A_87, %lt3A_90 : vector<4096x16xi1>
    %convert_element_type3A_92 = arith.extui %and3A_91 : vector<4096x16xi1> to vector<4096x16xi32>
    %convert_element_type3A_93 = arith.sitofp %convert_element_type3A_92 : vector<4096x16xi32> to vector<4096x16xf32>
    %mul3A_94 = vector.broadcast %broadcast_in_dim3A_62 : vector<1x16xf32> to vector<4096x16xf32>
    %mul3A_95 = arith.mulf %convert_element_type3A_93, %mul3A_94 : vector<4096x16xf32>
    %broadcast_in_dim3A_96 = arith.constant 1.000000e+00 : f32
    %broadcast_in_dim3A_97 = vector.broadcast %broadcast_in_dim3A_96 : f32 to vector<16x128xf32>
    %dot_general3A = arith.constant dense<0.000000e+00> : vector<4096x128xf32>
    %dot_general3A_98 = tpu.matmul %mul3A_95, %broadcast_in_dim3A_97, %dot_general3A {dimension_numbers = #tpu.dot_dimension_numbers<[1], [0], [0], [1], [0, 0, 1, 1], [], []>, transpose_lhs_hint = false} : vector<4096x16xf32>, vector<16x128xf32>, vector<4096x128xf32> -> vector<4096x128xf32>
    %broadcast_in_dim3A_99 = arith.constant 1.000000e+00 : f32
    %broadcast_in_dim3A_100 = vector.broadcast %broadcast_in_dim3A_99 : f32 to vector<128x128xf32>
    %dot_general3A_101 = arith.constant dense<0.000000e+00> : vector<4096x128xf32>
    %dot_general3A_102 = tpu.matmul %get3A_1, %broadcast_in_dim3A_100, %dot_general3A_101 {dimension_numbers = #tpu.dot_dimension_numbers<[1], [0], [0], [1], [0, 0, 1, 1], [], []>, transpose_lhs_hint = false} : vector<4096x128xf32>, vector<128x128xf32>, vector<4096x128xf32> -> vector<4096x128xf32>
    %mul3A_103 = arith.constant 7.812500e-03 : f32
    %mul3A_104 = vector.broadcast %mul3A_103 : f32 to vector<4096x128xf32>
    %mul3A_105 = arith.mulf %dot_general3A_102, %mul3A_104 : vector<4096x128xf32>
    %sub3A_106 = arith.subf %get3A_1, %mul3A_105 : vector<4096x128xf32>
    %mul3A_107 = arith.mulf %sub3A_106, %sub3A_106 : vector<4096x128xf32>
    %dot_general3A_108 = arith.constant dense<0.000000e+00> : vector<4096x128xf32>
    %dot_general3A_109 = tpu.matmul %mul3A_107, %broadcast_in_dim3A_100, %dot_general3A_108 {dimension_numbers = #tpu.dot_dimension_numbers<[1], [0], [0], [1], [0, 0, 1, 1], [], []>, transpose_lhs_hint = false} : vector<4096x128xf32>, vector<128x128xf32>, vector<4096x128xf32> -> vector<4096x128xf32>
    %sub3A_110 = arith.constant 1.000000e+00 : f32
    %sub3A_111 = vector.broadcast %sub3A_110 : f32 to vector<4096x128xf32>
    %sub3A_112 = arith.subf %dot_general3A_98, %sub3A_111 : vector<4096x128xf32>
    %mul3A_113 = arith.constant 1.250000e-01 : f32
    %mul3A_114 = vector.broadcast %mul3A_113 : f32 to vector<4096x128xf32>
    %mul3A_115 = arith.mulf %mul3A_114, %sub3A_112 : vector<4096x128xf32>
    %mul3A_116 = arith.constant 9.99999974E-6 : f32
    %mul3A_117 = vector.broadcast %mul3A_116 : f32 to vector<4096x128xf32>
    %mul3A_118 = arith.mulf %mul3A_117, %sub3A_112 : vector<4096x128xf32>
    %add3A_119 = arith.addf %dot_general3A_109, %mul3A_118 : vector<4096x128xf32>
    %div3A = arith.divf %mul3A_115, %add3A_119 : vector<4096x128xf32>
    %mul3A_120 = arith.mulf %mul3A_107, %div3A : vector<4096x128xf32>
    %add3A_121 = arith.constant 2.500000e-01 : f32
    %add3A_122 = vector.broadcast %add3A_121 : f32 to vector<4096x128xf32>
    %add3A_123 = arith.addf %mul3A_120, %add3A_122 : vector<4096x128xf32>
    %tanh3A = math.tanh %add3A_123 : vector<4096x128xf32>
    %mul3A_124 = arith.constant 5.000000e-01 : f32
    %mul3A_125 = vector.broadcast %mul3A_124 : f32 to vector<4096x128xf32>
    %mul3A_126 = arith.mulf %mul3A_125, %tanh3A : vector<4096x128xf32>
    %add3A_127 = arith.constant 1.500000e+00 : f32
    %add3A_128 = vector.broadcast %add3A_127 : f32 to vector<4096x128xf32>
    %add3A_129 = arith.addf %add3A_128, %mul3A_126 : vector<4096x128xf32>
    %mul3A_130 = arith.mulf %get3A_1, %add3A_129 : vector<4096x128xf32>
    %swap3A = arith.constant 0 : index
    %swap3A_131 = arith.constant 0 : index
    %swap3A_132 = vector.load %arg3[%swap3A, %swap3A_131] : memref<4096x128xf32, #tpu.memory_space<vmem>>, vector<4096x128xf32>
    tpu.vector_store %arg3[%swap3A, %swap3A_131], %mul3A_130 {strides = array<i32>} : memref<4096x128xf32, #tpu.memory_space<vmem>>, vector<4096x128xf32>,
    return
  }
  func.func @transform_0(%arg0: i32) -> (i32, i32) {
    %c0_i32 = arith.constant 0 : i32
    %c0_i32_0 = arith.constant 0 : i32
    return %arg0, %c0_i32 : i32, i32
  }
  func.func @transform_1(%arg0: i32) -> (i32, i32) {
    %c0_i32 = arith.constant 0 : i32
    %c0_i32_0 = arith.constant 0 : i32
    %c0_i32_1 = arith.constant 0 : i32
    return %c0_i32, %c0_i32_0 : i32, i32
  }
  func.func @transform_2(%arg0: i32) -> (i32, i32) {
    %c0_i32 = arith.constant 0 : i32
    %c0_i32_0 = arith.constant 0 : i32
    return %arg0, %c0_i32 : i32, i32
  }
}

</mosaic_0001>

<sc_bundles>
// kernel: kernel.4.cloned.1.call-start
scs
__scs_entry_jumppad:
0x0: {  	(pc) =	sbr.rel $0x88, $3  }
0x1: {  	(tag) =	ssettag $0x0;
	lr =	simm.s32 $0x1  }
0x2: {  	[smem:$0x3F9F] =	sst lr;
	_ =	strace $0xD0000000  }
0x3: {  	_ = 	snop  }
0x4: {  	_ = 	snop  }
0x5: {  	_ = 	snop  }
0x6: {  	_ = 	snop  }
0x7: {  	_ = 	snop  }
__scs_overlays_trampoline_lowered:
0x8: {  	[smem:$0x3FAE] =	sst s0  }
0x9: {  	[smem:$0x3FAF] =	sst s1  }
0xa: {  	[smem:$0x3FB0] =	sst s2  }
0xb: {  	[smem:$0x3FB1] =	sst s3  }
0xc: {  	[smem:$0x3FB2] =	sst s4  }
0xd: {  	[smem:$0x3FB3] =	sst s5  }
0xe: {  	[smem:$0x3FB4] =	sst s6  }
0xf: {  	[smem:$0x3FB5] =	sst s7  }
0x10: {  	[smem:$0x3FB6] =	sst s8  }
0x11: {  	[smem:$0x3FB7] =	sst s9;
	s0 =	simm.s32 @!p0 $0x0  }
0x12: {  	s1 =	sld [smem:$0x3F9D];
	s0 =	simm.s32 @p0 $0x1  }
0x13: {  	[smem:$0x3FB8] =	sst s0;
	s0 =	simm.s32 @!p1 $0x0  }
0x14: {  	s2 =	sld [smem:$0x3F9C];
	s0 =	simm.s32 @p1 $0x1  }
0x15: {  	[smem:$0x3FB9] =	sst s0;
	s0 =	simm.s32 @!p2 $0x0  }
0x16: {  	s3 =	sld [smem:$0x3FDB];
	s0 =	simm.s32 @p2 $0x1  }
0x17: {  	s4 =	simm.s32 $0x1BF5;
	[smem:$0x3FBB] =	sst s0  }
0x18: {  	s0 =	sld [smem:$0x3F9E];
	_ =	swait.ge [sflag:s4], $0x0  }
0x19: {  	s7 =	sld [smem:$0x3F9F]  }
0x1a: {  	s8 =	sadd.s32 $0xFFFFE003, lr  }
0x1b: {  	s9 =	sadd.s32 $0xFFFFFEF7, lr;
	s5 =	simm.s32 $0xFFFFFFFF;
	p2 =	slt.u32 s8, $0xFFFFF086  }
0x1c: {  	p1 =	slt.u32 s9, $0xF7A;
	s5 =	simm.s32 @!p2 $0x0  }
0x1d: {  	s5 =	simm.s32 @p1 $0x1;
	p0 =	seq.s32 s7, s2  }
0x1e: {  	s7 =	smul.u32 @!p0 $0xF7A, s2;
	p2 =	seq.s32 @!p0 s5, $0x0  }
0x1f: {  	s9 =	smul.u32 $0xF7A, s1;
	s8 =	simm.s32 @!p0 $0x1BF5;
	p2 =	por !p2, p0  }
0x20: {  	[sflag:s8] =	ssyncset.s32 @!p0 $0xFFFFF086;
	s6 =	sadd.s32 @!p0 s3, s7;
	s7 =	simm.s32 @!p0 $0x108  }
0x21: {  	s3 =	sadd.s32 s3, s9;
	s6 =	sadd.s32 @!p0 $0x88, s6;
	s7 =	simm.s32 @p2 $0x1082  }
0x22: {  	[simem:s7], [sflag:s8] =	dma.local @!p0 [hbm:s6], $0xF7A  }
0x23: {  	s9 =	sor.u32 $0xD0000000, s2;
	s6 =	simm.s32 $0x108;
	_ =	swait.ge @!p0 [sflag:s8], $0x0  }
0x24: {  	s3 =	sadd.s32 $0x88, s3;
	s6 =	simm.s32 @!p1 $0x1082;
	[sflag:s4] =	ssyncset.s32 $0xFFFFF086  }
0x25: {  	[simem:s6], [sflag:s4] =	dma.local [hbm:s3], $0xF7A  }
0x26: {  	[smem:$0x3F9F] =	sst s1;
	(tag) =	ssettag s2;
	_ =	strace s9  }
0x27: {  	s1 =	sld [smem:$0x3FAF]  }
0x28: {  	s2 =	sld [smem:$0x3FB0]  }
0x29: {  	s4 =	sld [smem:$0x3FB2]  }
0x2a: {  	p0 =	seq.s32 s5, $0x0;
	s5 =	sld [smem:$0x3FB3]  }
0x2b: {  	s6 =	sld [smem:$0x3FB4]  }
0x2c: {  	s7 =	sld [smem:$0x3FB5]  }
0x2d: {  	s3 =	simm.s32 $0x108;
	s8 =	sld [smem:$0x3FB6]  }
0x2e: {  	s3 =	simm.s32 @!p0 $0x1082;
	s9 =	sld [smem:$0x3FB7]  }
0x2f: {  	lr =	sadd.s32 s0, s3;
	s0 =	sld [smem:$0x3FAE]  }
0x30: {  	s3 =	sld [smem:$0x3FB1]  }
0x31: {  	[smem:$0x3FBA] =	sst s10  }
0x32: {  	s10 =	sld [smem:$0x3FB8];
	_ =	sdelay $0x3  }
0x33: {  	p0 =	seq.s32 s10, $0x1;
	s10 =	sld [smem:$0x3FBA];
	_ =	sdelay $0x3  }
0x34: {  	[smem:$0x3FBA] =	sst s10  }
0x35: {  	s10 =	sld [smem:$0x3FB9];
	_ =	sdelay $0x3  }
0x36: {  	p1 =	seq.s32 s10, $0x1;
	s10 =	sld [smem:$0x3FBA];
	_ =	sdelay $0x3  }
0x37: {  	[smem:$0x3FBA] =	sst s10  }
0x38: {  	s10 =	sld [smem:$0x3FBB]  }
0x39: {  	_ = 	snop;
	(pc) =	sbr.ind lr, $3  }
0x3a: {  	_ = 	snop  }
0x3b: {  	_ = 	snop  }
0x3c: {  	p2 =	seq.s32 s10, $0x1;
	s10 =	sld [smem:$0x3FBA]  }
0x3d: {  	_ =	shalt  }
0x3e: {  	_ =	shalt  }
0x3f: {  	_ =	shalt  }
0x40: {  	_ =	shalt  }
0x41: {  	_ =	shalt  }
0x42: {  	_ =	shalt  }
0x43: {  	_ =	shalt  }
0x44: {  	_ =	shalt  }
0x45: {  	_ =	shalt  }
0x46: {  	_ =	shalt  }
0x47: {  	_ =	shalt  }
0x48: {  	_ =	shalt  }
0x49: {  	_ =	shalt  }
0x4a: {  	_ =	shalt  }
0x4b: {  	_ =	shalt  }
0x4c: {  	_ =	shalt  }
0x4d: {  	_ =	shalt  }
0x4e: {  	_ =	shalt  }
0x4f: {  	_ =	shalt  }
0x50: {  	_ =	shalt  }
0x51: {  	_ =	shalt  }
0x52: {  	_ =	shalt  }
0x53: {  	_ =	shalt  }
0x54: {  	_ =	shalt  }
0x55: {  	_ =	shalt  }
0x56: {  	_ =	shalt  }
0x57: {  	_ =	shalt  }
0x58: {  	_ =	shalt  }
0x59: {  	_ =	shalt  }
0x5a: {  	_ =	shalt  }
0x5b: {  	_ =	shalt  }
0x5c: {  	_ =	shalt  }
0x5d: {  	_ =	shalt  }
0x5e: {  	_ =	shalt  }
0x5f: {  	_ =	shalt  }
0x60: {  	_ =	shalt  }
0x61: {  	_ =	shalt  }
0x62: {  	_ =	shalt  }
0x63: {  	_ =	shalt  }
0x64: {  	_ =	shalt  }
0x65: {  	_ =	shalt  }
0x66: {  	_ =	shalt  }
0x67: {  	_ =	shalt  }
0x68: {  	_ =	shalt  }
0x69: {  	_ =	shalt  }
0x6a: {  	_ =	shalt  }
0x6b: {  	_ =	shalt  }
0x6c: {  	_ =	shalt  }
0x6d: {  	_ =	shalt  }
0x6e: {  	_ =	shalt  }
0x6f: {  	_ =	shalt  }
0x70: {  	_ =	shalt  }
0x71: {  	_ =	shalt  }
0x72: {  	_ =	shalt  }
0x73: {  	_ =	shalt  }
0x74: {  	_ =	shalt  }
0x75: {  	_ =	shalt  }
0x76: {  	_ =	shalt  }
0x77: {  	_ =	shalt  }
0x78: {  	_ =	shalt  }
0x79: {  	_ =	shalt  }
0x7a: {  	_ =	shalt  }
0x7b: {  	_ =	shalt  }
0x7c: {  	_ =	shalt  }
0x7d: {  	_ =	shalt  }
0x7e: {  	_ =	shalt  }
0x7f: {  	_ =	shalt  }
0x80: {  	_ =	shalt  }
0x81: {  	_ =	shalt  }
0x82: {  	_ =	shalt  }
0x83: {  	_ =	shalt  }
0x84: {  	_ =	shalt  }
0x85: {  	_ =	shalt  }
0x86: {  	_ =	shalt  }
0x87: {  	_ =	shalt  }
.Lfunc_end0:
.L_simem_size_0:
called_computation_lowered:
.L_overlay_start_0:
0x88: {  	s0 =	sld [smem:$0x3FD9]  }
0x89: {  	s1 =	sld [smem:$0x3FFE];
	_ =	sdelay $0x3  }
0x8a: {  	s0 =	sadd.s32 s1, s0  }
0x8b: {  	[smem:$0x3FC6] =	sst s0  }
0x8c: {  	_ = 	snop  }
0x8d: {  	s0 =	sld [smem:$0x3FD0];
	(tm) =	ssettm $0x1  }
0x8e: {  	s16 =	sld [smem:$0x3FFB];
	_ =	sdelay $0x3  }
0x8f: {  	_ =	strace s16  }
0x90: {  	s1 =	sld [smem:$0x3FFC];
	_ =	sdelay $0x3  }
0x91: {  	_ =	strace s1  }
0x92: {  	s1 =	sld [smem:$0x3FFD];
	_ =	sdelay $0x3  }
0x93: {  	_ =	strace s1  }
0x94: {  	_ =	strace $0x8FFFFFFF  }
0x95: {  	s17 =	sld [smem:$0x3FDB];
	_ =	sdelay $0x1  }
0x96: {  	s2 =	simm.s32 $_scs_section_size  }
0x97: {  	s3 =	simm.s32 $_size__tile_overlayer_lowered;
	s4 =	simm.s32 $_tile_overlayer_lowered  }
0x98: {  	s20 =	simm.s32 $0x1BFF;
	s19 =	sshll.u32 s4, $0x1;
	s1 =	sadd.s32 s2, s17  }
0x99: {  	s5 =	simm.s32 $0x0;
	s18 =	sshll.u32 s3, $0x1;
	s3 =	sadd.s32 s19, s1  }
0x9a: {  	[timem:s5], [sflag:s20] =	dma.local [hbm:s3], s18  }
0x9b: {  	_ =	swait.ge [sflag:s20], s18  }
0x9c: {  	s2 =	ssub.s32 $0x0, s18;
	[sflag:s20] =	ssyncset.done $0x0  }
0x9d: {  	[sflag:s20] =	ssyncadd.s32 s2;
	_ =	sdelay $0x1  }
0x9e: {  	s21 =	simm.s32 $0x1B8B  }
0x9f: {  	_ =	swait.ge [sflag:s21], $0x1  }
0xa0: {  	[sflag:s21] =	ssyncset.done $0x0  }
0xa1: {  	s23 =	simm.s32 $0x1B8E;
	s22 =	sld [smem:$0x3FFE];
	[sflag:s21] =	ssyncadd.s32 $0xFFFFFFFF  }
0xa2: {  	s24 =	simm.s32 $execute0_lowered;
	[smem:$0x3FD2] =	sst s23  }
0xa3: {  	s3 =	sshll.u32 s24, $0x1;
	_ =	strace $0x80000046;
	[dreg:$0x1] =	wrdreg $0xFFFFFFFF  }
0xa4: {  	s25 =	simm.s32 $_size_execute0_lowered;
	s1 =	sadd.s32 s1, s3;
	[dreg:$0x0] =	wrdreg $0x0  }
0xa5: {  	s3 =	sshll.u32 s25, $0x1;
	[dreg:$0x2] =	wrdreg s1  }
0xa6: {  	[dreg:$0x3] =	wrdreg s3  }
0xa7: {  	[dreg:$0x4] =	wrdreg $0xC0  }
0xa8: {  	_ =	task [dreg:s5], $0x5FFFF  }
0xa9: {  	[dreg:$0x1] =	wrdreg $0xFFFFFFFF  }
0xaa: {  	[dreg:$0x0] =	wrdreg $0x60  }
0xab: {  	[dreg:$0x2] =	wrdreg s22  }
0xac: {  	[dreg:$0x3] =	wrdreg s0  }
0xad: {  	[dreg:$0x4] =	wrdreg $0x9  }
0xae: {  	_ =	task.clear_ibuf [dreg:s5], $0x5FFFF;
	_ =	strace $0x90000046  }
0xaf: {  	s26 =	simm.s32 $0x9;
	_ =	strace $0x80000048  }
0xb0: {  	_ =	swait.ge [sflag:s26], $0x1  }
0xb1: {  	[sflag:s26] =	ssyncadd.s32 $0xFFFFFFFF  }
0xb2: {  	_ =	strace $0x90000048  }
0xb3: {  	_ =	sfence  }
0xb4: {  	s28 =	sld [smem:$0x0];
	_ =	sdelay $0x1  }
0xb5: {  	s29 =	srdreg.scid  }
0xb6: {  	s30 =	sshll.u32 s29, $0xD;
	s31 =	sshrl.u32 s29, $0x2  }
0xb7: {  	s2 =	sand.u32 $0x4000, s30;
	s1 =	sand.u32 $0x1, s29;
	s0 =	sadd.s32 s31, s28  }
0xb8: {  	s1 =	sor.u32 s2, s1;
	s0 =	sshll.u32 s0, $0x11  }
0xb9: {  	s0 =	sor.u32 s0, s1  }
0xba: {  	s0 =	sadd.s32 $0x8F2B, s0  }
0xbb: {  	[sflag:s0] =	ssyncadd.remote.s32 $0x1  }
0xbc: {  	_ =	sfence.sel $0xFFFF  }
0xbd: {  	[dreg:$0x0] =	wrdreg $0xFFFFFFFF;
	(pc) =	sbr.abs _section_cstart, $3  }
0xbe: {  	[dreg:$0x1] =	wrdreg $0xFFFFFFFF  }
0xbf: {  	_ =	task.clear_ibuf [dreg:s5], $0x2FFFF;
	_ =	strace $0x9FFFFFFF  }
0xc0: {  	(tm) =	ssettm $0x7FFFFFFF  }
0xc1: {  	_ =	shalt  }
tec
execute0_lowered:
.L_overlay_start_1:
0x0: {  	(tag) =	ssettag $0x1  }
0x1: {  	s2 =	rddreg [dreg:$0x0];
	s1 =	stileid.u32  }
0x2: {  	s4 =	rddreg [dreg:$0x1];
	s3 =	simm.s32 $0x0;
	s5 =	sshll.u32 s1, $0xA  }
0x3: {  	[smem:$0x7FF] =	sst s3;
	s2 =	sadd.s32 s5, s2  }
0x4: {  	s0 =	rddreg [dreg:$0x2];
	_ =	strace $0x80000047;
	s2 =	sadd.s32 $0x1400, s2  }
0x5: {  	v0 =	vimm.s32 $0x0;
	[tilespmem:s3], [sflag:$0x1] =	stream.linear.gather [hbm4b:s2+s3], $0x2000, $0x38;
	[tilespmem:$0x2100] =	vst v63  }
0x6: {  	[tilespmem:$0x2000] =	vst v0  }
0x7: {  	[tilespmem:$0x2010] =	vst v0  }
0x8: {  	[tilespmem:$0x2020] =	vst v0  }
0x9: {  	[tilespmem:$0x2030] =	vst v0  }
0xa: {  	[tilespmem:$0x2040] =	vst v0  }
0xb: {  	[tilespmem:$0x2050] =	vst v0  }
0xc: {  	[tilespmem:$0x2060] =	vst v0  }
0xd: {  	[tilespmem:$0x2070] =	vst v0  }
0xe: {  	[tilespmem:$0x2080] =	vst v0  }
0xf: {  	[tilespmem:$0x2090] =	vst v0  }
0x10: {  	[tilespmem:$0x20A0] =	vst v0  }
0x11: {  	[tilespmem:$0x20B0] =	vst v0  }
0x12: {  	[tilespmem:$0x20C0] =	vst v0  }
0x13: {  	[tilespmem:$0x20D0] =	vst v0  }
0x14: {  	[tilespmem:$0x20E0] =	vst v0  }
0x15: {  	s29 =	simm.s32 $0x1;
	[tilespmem:$0x20F0] =	vst v0  }
0x16: {  	_ =	swait.ge [sflag:s29], $0x2000  }
0x17: {  	[sflag:s29] =	ssyncset.done $0x0  }
0x18: {  	[sflag:s29] =	ssyncadd.s32 $0xFFFFE000  }
0x19: {  	v1 =	vld [tilespmem:$0x0]  }
0x1a: {  	v2 =	vld [tilespmem:$0x1FF0];
	_ =	sdelay $0x3  }
0x1b: {  	(v2sf) =	vpush v1, $0x0  }
0x1c: {  	(v2sf) =	vpush v2, $0xC;
	_ =	sdelay $0xd  }
0x1d: {  	s3 =	spop (v2sf)  }
0x1e: {  	s2 =	spop (v2sf)  }
0x1f: {  	s7 =	sadd.s32 $0x1, s2  }
0x20: {  	p0 =	sge.s32 s3, s7  }
.Ltmp0:
0x21: {  	_ = 	snop;
	(pc) =	sbr.rel @p0 .LBB2_4-.Ltmp0, $4  }
0x22: {  	s30 =	sshll.u32 s1, $0x4  }
0x23: {  	s6 =	sshll.u32 s1, $0x5;
	s5 =	sand.u32 $0x70, s30  }
0x24: {  	s31 =	sand.u32 $0x100, s6;
	s4 =	sadd.s32 s4, s5  }
0x25: {  	s4 =	sadd.s32 s31, s4  }
.LBB2_1:
0x26: {  	s6 =	simm.s32 $0x0  }
0x27: {  	v5 =	vld [tilespmem:s6+$0x0]  }
0x28: {  	v4 =	vld [tilespmem:s6+$0x10]  }
0x29: {  	v2 =	vld [tilespmem:s6+$0x20]  }
0x2a: {  	v3 =	vld [tilespmem:s6+$0x30]  }
0x2b: {  	v1 =	vmov s3;
	v6 =	vimm.s32 $0x0;
	s5 =	simm.s32 $0x100  }
.LBB2_2:
0x2c: {  	s6 =	sshra.s32 s5, $0x2;
	p0 =	sne.s32 s5, $0x7F00;
	s5 =	sadd.s32 $0x100, s5;
	vm0 =	veq.s32 v5, v1  }
.Ltmp1:
0x2d: {  	v5 =	vld [tilespmem:s6+$0x0];
	v7 =	vsel vm0, $0x1, v0;
	vm0 =	veq.s32 v4, v1;
	(pc) =	sbr.rel @p0 .LBB2_2-.Ltmp1, $4  }
0x2e: {  	v4 =	vld [tilespmem:s6+$0x10];
	v6 =	vadd.s32 v7, v6;
	v7 =	vsel vm0, $0x1, v0;
	vm0 =	veq.s32 v2, v1  }
0x2f: {  	v2 =	vld [tilespmem:s6+$0x20];
	v6 =	vadd.s32 v7, v6;
	v7 =	vsel vm0, $0x1, v0;
	vm0 =	veq.s32 v3, v1  }
0x30: {  	v3 =	vld [tilespmem:s6+$0x30];
	v6 =	vadd.s32 v7, v6;
	v7 =	vsel vm0, $0x1, v0  }
0x31: {  	v6 =	vadd.s32 v7, v6  }
0x32: {  	vm0 =	veq.s32 v5, v1  }
0x33: {  	p0 =	sne.s32 s3, s2;
	v5 =	vsel vm0, $0x1, v0;
	vm13 =	veq.s32 v4, v1  }
.Ltmp2:
0x34: {  	v61 =	vadd.s32 v5, v6;
	v62 =	vsel vm13, $0x1, v0;
	vm14 =	veq.s32 v2, v1;
	(pc) =	sbr.rel @p0 .LBB2_1-.Ltmp2, $4  }
0x35: {  	v2 =	vadd.s32 v62, v61;
	v63 =	vsel vm14, $0x1, v0;
	vm15 =	veq.s32 v3, v1  }
0x36: {  	s5 =	sshll.u32 s3, $0x6;
	v1 =	vadd.s32 v63, v2;
	v2 =	vsel vm15, $0x1, v0  }
0x37: {  	s5 =	sshra.s32 s5, $0x2;
	v1 =	vadd.s32 v2, v1  }
0x38: {  	s3 =	sadd.s32 $0x1, s3;
	[tilespmem:s5+$0x2000] =	vst v1  }
.LBB2_4:
0x39: {  	s2 =	simm.s32 $0x80  }
0x3a: {  	s3 =	simm.s32 $0x400;
	s5 =	simm.s32 $0x2000;
	s31 =	simm.s32 $0x2  }
0x3b: {  	[hbm4b:s4+s2] =	stream.strided.scatter [tilespmem:s5], [sflag:$0x2], $0x100, s3, s2, $0x38;
	[tilespmem:$0x2100] =	vst v63  }
0x3c: {  	_ =	swait.ge [sflag:s31], $0x100  }
0x3d: {  	[sflag:s31] =	ssyncset.done $0x0  }
0x3e: {  	[sflag:s31] =	ssyncadd.s32 $0xFFFFFF00  }
0x3f: {  	_ =	sfence.sel $0x180000  }
0x40: {  	[bflag:$0x0] =	sbarrier.arrive $0xFFFF  }
0x41: {  	p0 =	sne.s32 s1, $0x0;
	_ =	strace $0x90000047  }
0x42: {  	s0 =	sadd.s32 @!p0 $0x100000, s0;
	[bflag:$0x2] =	sbarrier.arrive $0xFFFF  }
0x43: {  	[sflag:s0] =	ssyncadd.tile.s32 @!p0 $0x1;
	_ =	shalt  }
.Lfunc_end2:
_tile_overlayer_lowered:
.L_overlay_start_2:
0x44: {  	(tag) =	ssettag $0x2  }
0x45: {  	s0 =	rddreg [dreg:$0x0];
	s2 =	stileid.u32  }
0x46: {  	s1 =	rddreg [dreg:$0x1];
	p0 =	sne.s32 s2, $0x0  }
0x47: {  	s3 =	rddreg [dreg:$0x2];
	[bflag:$0x3] =	sbarrier.arrive $0xFFFF;
	s2 =	simm.s32 @!p0 $0x1C02  }
0x48: {  	[timem:s3], [sflag:s2] =	dma.local @!p0 [hbm:s0], s1  }
0x49: {  	s0 =	simm.s32 @!p0 $0x2  }
0x4a: {  	_ =	swait.ge @!p0 [sflag:s0], s1  }
0x4b: {  	s1 =	ssub.s32 @!p0 $0x0, s1;
	[sflag:s0] =	ssyncset.done @!p0 $0x0  }
0x4c: {  	[sflag:s0] =	ssyncadd.s32 @!p0 s1  }
0x4d: {  	[bflag:$0x3] =	sbarrier.arrive $0xFFFF  }
0x4e: {  	_ =	shalt  }

</sc_bundles>
